<compile_context>
chip_gen: v7x
topology: tpu7x:2x2x1
jax: 0.10.2.dev20260603
libtpu: 0.0.44.dev20260713+nightly
codegen_flags: <defaults>
</compile_context>

<pallas_src>
import jax
import jax.numpy as jnp
from jax import lax
from jax.experimental import pallas as pl
from jax.experimental.pallas import tpu as pltpu
from jax.experimental.pallas import tpu_sc as plsc

_NUM_EVENT = 100000
_NUM_STATION = 100
_B = 16384
_REG = 0.001

_NC = 2
_NS = 16
_NW = _NC * _NS
_CHUNK = _B // _NW
_GCHUNK = 512
_NG = _CHUNK // _GCHUNK
_L = 16


def _rsqrt(x):
    i = plsc.bitcast(x, jnp.int32)
    i = jnp.int32(0x5F3759DF) - (i >> 1)
    y = plsc.bitcast(i, jnp.float32)
    for _ in range(4):
        y = y * (1.5 - 0.5 * x * y * y)
    return y


def _sc_body(evp_hbm, stloc_hbm, stdt_hbm,
             pt_hbm, pw_hbm, sidx_hbm, eidx_hbm, t_hbm, parts_hbm,
             eidx_v, sidx_v, ex_v, ey_v, ez_v, et_v, pt_v, pw_v, t_v,
             stloc_v, stdt_v, part_v, sem):
    wid = lax.axis_index("s") * _NC + lax.axis_index("c")
    base = wid * _CHUNK

    pltpu.sync_copy(eidx_hbm.at[pl.ds(base, _CHUNK)], eidx_v)
    descs = []
    for k in range(_NG):
        isl = pl.ds(k * _GCHUNK, _GCHUNK)
        idx = eidx_v.at[isl]
        descs.append(pltpu.async_copy(
            evp_hbm.at[pl.ds(0, _NUM_EVENT)].at[idx], ex_v.at[isl], sem))
        descs.append(pltpu.async_copy(
            evp_hbm.at[pl.ds(_NUM_EVENT, _NUM_EVENT)].at[idx],
            ey_v.at[isl], sem))
        descs.append(pltpu.async_copy(
            evp_hbm.at[pl.ds(2 * _NUM_EVENT, _NUM_EVENT)].at[idx],
            ez_v.at[isl], sem))
        descs.append(pltpu.async_copy(
            evp_hbm.at[pl.ds(3 * _NUM_EVENT, _NUM_EVENT)].at[idx],
            et_v.at[isl], sem))

    pltpu.sync_copy(sidx_hbm.at[pl.ds(base, _CHUNK)], sidx_v)
    pltpu.sync_copy(pt_hbm.at[pl.ds(base, _CHUNK)], pt_v)
    pltpu.sync_copy(pw_hbm.at[pl.ds(base, _CHUNK)], pw_v)
    pltpu.sync_copy(stloc_hbm, stloc_v)
    pltpu.sync_copy(stdt_hbm, stdt_v)

    lane = lax.iota(jnp.int32, _L)
    zero = jnp.zeros((_L,), jnp.float32)

    def chunk(j, carry):
        hacc, sacc = carry
        off = j * _L
        sl = pl.ds(off, _L)
        sidx = sidx_v[sl]
        elx = ex_v[sl]
        ely = ey_v[sl]
        elz = ez_v[sl]
        et = et_v[sl]
        pt = pt_v[sl]
        pw = pw_v[sl]
        s3 = sidx * 3
        slx = plsc.load_gather(stloc_v, [s3])
        sly = plsc.load_gather(stloc_v, [s3 + 1])
        slz = plsc.load_gather(stloc_v, [s3 + 2])
        sdt = plsc.load_gather(stdt_v, [sidx])
        dx = elx - slx
        dy = ely - sly
        dz = elz - slz
        s = dx * dx + dy * dy + dz * dz
        dist = s * _rsqrt(s)
        t = et + dist + sdt
        t_v[sl] = t
        err = t - pt
        ae = jnp.abs(err)
        hub = jnp.where(ae < 1.0, 0.5 * err * err, ae - 0.5)
        return hacc + hub * pw, sacc + jnp.abs(sdt)

    hacc, sacc = zero, zero
    for k in range(_NG):
        for d in descs[4 * k:4 * k + 4]:
            d.wait()
        hacc, sacc = lax.fori_loop(
            k * (_GCHUNK // _L), (k + 1) * (_GCHUNK // _L), chunk,
            (hacc, sacc))

    hsum = jnp.sum(hacc)
    ssum = jnp.sum(sacc)
    part_v[...] = jnp.where(lane == 0, hsum, jnp.where(lane == 1, ssum, 0.0))

    pltpu.sync_copy(t_v, t_hbm.at[pl.ds(base, _CHUNK)])
    pltpu.sync_copy(part_v, parts_hbm.at[wid])


@jax.jit
def _run(evp, stloc, stdt, pt, pw, sidx, eidx):
    mesh = plsc.VectorSubcoreMesh(core_axis_name="c", subcore_axis_name="s",
                                  num_cores=_NC, num_subcores=_NS)
    f = pl.kernel(
        _sc_body,
        out_type=(
            jax.ShapeDtypeStruct((_B,), jnp.float32),
            jax.ShapeDtypeStruct((_NW, _L), jnp.float32),
        ),
        mesh=mesh,
        scratch_types=[
            pltpu.VMEM((_CHUNK,), jnp.int32),
            pltpu.VMEM((_CHUNK,), jnp.int32),
            pltpu.VMEM((_CHUNK,), jnp.float32),
            pltpu.VMEM((_CHUNK,), jnp.float32),
            pltpu.VMEM((_CHUNK,), jnp.float32),
            pltpu.VMEM((_CHUNK,), jnp.float32),
            pltpu.VMEM((_CHUNK,), jnp.float32),
            pltpu.VMEM((_CHUNK,), jnp.float32),
            pltpu.VMEM((_CHUNK,), jnp.float32),
            pltpu.VMEM((_NUM_STATION * 3,), jnp.float32),
            pltpu.VMEM((_NUM_STATION,), jnp.float32),
            pltpu.VMEM((_L,), jnp.float32),
            pltpu.SemaphoreType.DMA,
        ],
        compiler_params=pltpu.CompilerParams(needs_layout_passes=False,
                                             use_tc_tiling_on_sc=False),
        name="travel_time_sc",
    )
    t_flat, parts = f(evp, stloc, stdt, pt, pw, sidx, eidx)
    t = t_flat.reshape(_B, 1)
    lane_w = jnp.array([1.0, _REG] + [0.0] * (_L - 2), jnp.float32)
    loss = jnp.sum(parts * lane_w) / _B
    return t, loss


def kernel(event_loc_w, event_time_w, station_dt_w, station_loc, phase_time,
           phase_weight, station_index, event_index):
    return _run(
        jnp.concatenate([event_loc_w.T.reshape(-1),
                         event_time_w.reshape(-1)]),
        station_loc.reshape(-1),
        station_dt_w.reshape(-1),
        phase_time.reshape(-1),
        phase_weight.reshape(-1),
        station_index,
        event_index,
    )

# --- scband reference (transcript-rebuilt; emitter-appended) ---
"""Pipeline reference for scband-travel-time-15968688406554 (READ-ONLY COPY).

The authoritative reference and input builder live on the scoring server;
editing this copy changes nothing except your own understanding.
"""

import jax, jax.numpy as jnp
import numpy as np

NUM_EVENT = 100000
NUM_STATION = 100
B = 16384
REG = 0.001

def setup_inputs(seed: int = 0):
    key = jax.random.key(seed)
    k1, k2, k3, k4, k5, k6 = jax.random.split(key, 6)
    return {
        'event_loc_w': jax.random.normal(k1, (NUM_EVENT, 3), dtype=jnp.float32),
        'event_time_w': jax.random.normal(k2, (NUM_EVENT, 1), dtype=jnp.float32),
        'station_dt_w': jnp.zeros((NUM_STATION, 1), dtype=jnp.float32),
        'station_loc': jnp.zeros((NUM_STATION, 3), dtype=jnp.float32),
        'phase_time': jax.random.normal(k3, (B, 1), dtype=jnp.float32),
        'phase_weight': jax.random.uniform(k4, (B, 1), dtype=jnp.float32),
        'station_index': jax.random.randint(k5, (B,), 0, NUM_STATION, dtype=jnp.int32),
        'event_index': jax.random.randint(k6, (B,), 0, NUM_EVENT, dtype=jnp.int32),
    }

def reference(event_loc_w, event_time_w, station_dt_w, station_loc, phase_time, phase_weight, station_index, event_index):
    # embedding lookups (gathers)
    sl = jnp.take(station_loc, station_index, axis=0)
    sdt = jnp.take(station_dt_w, station_index, axis=0)
    el = jnp.take(event_loc_w, event_index, axis=0)
    et = jnp.take(event_time_w, event_index, axis=0)
    # calc_time with phase_type=None: string comparisons are no-ops -> velocity stays ones
    dist = jnp.linalg.norm(el - sl, axis=-1, keepdims=True)
    velocity = jnp.ones_like(dist)
    tt = dist / velocity
    t = et + tt + sdt
    # huber loss (delta=1.0, reduction='none') weighted, plus L1 reg on station_dt
    err = t - phase_time
    ae = jnp.abs(err)
    huber = jnp.where(ae < 1.0, 0.5 * err * err, ae - 0.5)
    loss = jnp.mean(huber * phase_weight) + REG * jnp.mean(jnp.abs(sdt))
    return t, loss

if __name__ == "__main__":
    import jax
    _d = setup_inputs()
    print(jax.jit(kernel)(*tuple(_d.values())))

</pallas_src>

<mosaic_0001>
#map = affine_map<(d0, d1) -> (0)>
#map1 = affine_map<(d0, d1) -> (0, 0)>
module attributes {stable_mosaic.version = 14 : i64} {
  func.func @travel_time_sc(%arg0: i32, %arg1: i32, %arg2: memref<400000xf32, #tpu.memory_space<hbm>>, %arg3: memref<300xf32, #tpu.memory_space<hbm>>, %arg4: memref<100xf32, #tpu.memory_space<hbm>>, %arg5: memref<16384xf32, #tpu.memory_space<hbm>>, %arg6: memref<16384xf32, #tpu.memory_space<hbm>>, %arg7: memref<16384xi32, #tpu.memory_space<hbm>>, %arg8: memref<16384xi32, #tpu.memory_space<hbm>>, %arg9: memref<16384xf32, #tpu.memory_space<hbm>>, %arg10: memref<32x16xf32, #tpu.memory_space<hbm>>, %arg11: memref<512xi32, #tpu.memory_space<vmem>>, %arg12: memref<512xi32, #tpu.memory_space<vmem>>, %arg13: memref<512xf32, #tpu.memory_space<vmem>>, %arg14: memref<512xf32, #tpu.memory_space<vmem>>, %arg15: memref<512xf32, #tpu.memory_space<vmem>>, %arg16: memref<512xf32, #tpu.memory_space<vmem>>, %arg17: memref<512xf32, #tpu.memory_space<vmem>>, %arg18: memref<512xf32, #tpu.memory_space<vmem>>, %arg19: memref<512xf32, #tpu.memory_space<vmem>>, %arg20: memref<300xf32, #tpu.memory_space<vmem>>, %arg21: memref<100xf32, #tpu.memory_space<vmem>>, %arg22: memref<16xf32, #tpu.memory_space<vmem>>, %arg23: memref<!tpu.dma_semaphore, #tpu.memory_space<semaphore_mem>>) attributes {dimension_semantics = [#tpu.dimension_semantics<core_parallel>, #tpu.dimension_semantics<subcore_parallel>], iteration_bounds = array<i64: 2, 16>, scalar_prefetch = 0 : i64, scratch_operands = 13 : i64, tpu.core_type = #tpu.core_type<sc_vector_subcore>, window_params = [{transform_indices = #map}, {transform_indices = #map}, {transform_indices = #map}, {transform_indices = #map}, {transform_indices = #map}, {transform_indices = #map}, {transform_indices = #map}, {transform_indices = #map}, {transform_indices = #map1}]} {
    %mul3A = arith.constant 2 : i32
    %mul3A_0 = arith.muli %arg1, %mul3A : i32
    %add3A = arith.addi %mul3A_0, %arg0 : i32
    %mul3A_1 = arith.constant 512 : i32
    %mul3A_2 = arith.muli %add3A, %mul3A_1 : i32
    "tpu.region"() ({
      %run_scoped3A = tpu.sem_alloc : memref<!tpu.dma_semaphore, #tpu.memory_space<semaphore_mem>>
      %dma_start3A_88 = tpu.memref_slice %arg8[%mul3A_2] : memref<16384xi32, #tpu.memory_space<hbm>> -> memref<512xi32, #tpu.memory_space<hbm>>
      %dma_start3A_89 = tpu.memref_slice %arg8[%mul3A_2] : memref<16384xi32, #tpu.memory_space<hbm>> -> memref<512xi32, #tpu.memory_space<hbm>>
      tpu.enqueue_dma source(%dma_start3A_89 : memref<512xi32, #tpu.memory_space<hbm>>) target(%arg11 : memref<512xi32, #tpu.memory_space<vmem>>) target_semaphore(%run_scoped3A : memref<!tpu.dma_semaphore, #tpu.memory_space<semaphore_mem>>)
      %dma_wait3A_90 = tpu.memref_slice %arg8[%mul3A_2] : memref<16384xi32, #tpu.memory_space<hbm>> -> memref<512xi32, #tpu.memory_space<hbm>>
      %dma_wait3A_91 = tpu.memref_slice %arg8[%mul3A_2] : memref<16384xi32, #tpu.memory_space<hbm>> -> memref<512xi32, #tpu.memory_space<hbm>>
      tpu.wait_dma2 semaphore(%run_scoped3A : memref<!tpu.dma_semaphore, #tpu.memory_space<semaphore_mem>>) src(%dma_wait3A_91 : memref<512xi32, #tpu.memory_space<hbm>>) dst(%arg11 : memref<512xi32, #tpu.memory_space<vmem>>)
      tpu.yield
    }) : () -> ()
    %dma_start3A = arith.constant 0 : i32
    %dma_start3A_3 = tpu.memref_slice %arg13[%dma_start3A] : memref<512xf32, #tpu.memory_space<vmem>> -> memref<512xf32, #tpu.memory_space<vmem>>
    %dma_start3A_4 = arith.constant 0 : i32
    %dma_start3A_5 = tpu.memref_slice %arg11[%dma_start3A_4] : memref<512xi32, #tpu.memory_space<vmem>> -> memref<512xi32, #tpu.memory_space<vmem>>
    %dma_start3A_6 = arith.constant 0 : i32
    %dma_start3A_7 = tpu.memref_slice %arg2[%dma_start3A_6] : memref<400000xf32, #tpu.memory_space<hbm>> -> memref<100000xf32, #tpu.memory_space<hbm>>
    %dma_start3A_8 = arith.constant 0 : i32
    %dma_start3A_9 = tpu.memref_slice %dma_start3A_7[%dma_start3A_8] : memref<100000xf32, #tpu.memory_space<hbm>> -> memref<100000xf32, #tpu.memory_space<hbm>>
    tpu.enqueue_indirect_dma source(%dma_start3A_9 : memref<100000xf32, #tpu.memory_space<hbm>>) target(%dma_start3A_3 : memref<512xf32, #tpu.memory_space<vmem>>) offsets(%dma_start3A_5 : memref<512xi32, #tpu.memory_space<vmem>>) semaphore(%arg23 : memref<!tpu.dma_semaphore, #tpu.memory_space<semaphore_mem>>)
    %dma_start3A_10 = arith.constant 0 : i32
    %dma_start3A_11 = tpu.memref_slice %arg14[%dma_start3A_10] : memref<512xf32, #tpu.memory_space<vmem>> -> memref<512xf32, #tpu.memory_space<vmem>>
    %dma_start3A_12 = arith.constant 0 : i32
    %dma_start3A_13 = tpu.memref_slice %arg11[%dma_start3A_12] : memref<512xi32, #tpu.memory_space<vmem>> -> memref<512xi32, #tpu.memory_space<vmem>>
    %dma_start3A_14 = arith.constant 100000 : i32
    %dma_start3A_15 = tpu.memref_slice %arg2[%dma_start3A_14] : memref<400000xf32, #tpu.memory_space<hbm>> -> memref<100000xf32, #tpu.memory_space<hbm>>
    %dma_start3A_16 = arith.constant 0 : i32
    %dma_start3A_17 = tpu.memref_slice %dma_start3A_15[%dma_start3A_16] : memref<100000xf32, #tpu.memory_space<hbm>> -> memref<100000xf32, #tpu.memory_space<hbm>>
    tpu.enqueue_indirect_dma source(%dma_start3A_17 : memref<100000xf32, #tpu.memory_space<hbm>>) target(%dma_start3A_11 : memref<512xf32, #tpu.memory_space<vmem>>) offsets(%dma_start3A_13 : memref<512xi32, #tpu.memory_space<vmem>>) semaphore(%arg23 : memref<!tpu.dma_semaphore, #tpu.memory_space<semaphore_mem>>)
    %dma_start3A_18 = arith.constant 0 : i32
    %dma_start3A_19 = tpu.memref_slice %arg15[%dma_start3A_18] : memref<512xf32, #tpu.memory_space<vmem>> -> memref<512xf32, #tpu.memory_space<vmem>>
    %dma_start3A_20 = arith.constant 0 : i32
    %dma_start3A_21 = tpu.memref_slice %arg11[%dma_start3A_20] : memref<512xi32, #tpu.memory_space<vmem>> -> memref<512xi32, #tpu.memory_space<vmem>>
    %dma_start3A_22 = arith.constant 200000 : i32
    %dma_start3A_23 = tpu.memref_slice %arg2[%dma_start3A_22] : memref<400000xf32, #tpu.memory_space<hbm>> -> memref<100000xf32, #tpu.memory_space<hbm>>
    %dma_start3A_24 = arith.constant 0 : i32
    %dma_start3A_25 = tpu.memref_slice %dma_start3A_23[%dma_start3A_24] : memref<100000xf32, #tpu.memory_space<hbm>> -> memref<100000xf32, #tpu.memory_space<hbm>>
    tpu.enqueue_indirect_dma source(%dma_start3A_25 : memref<100000xf32, #tpu.memory_space<hbm>>) target(%dma_start3A_19 : memref<512xf32, #tpu.memory_space<vmem>>) offsets(%dma_start3A_21 : memref<512xi32, #tpu.memory_space<vmem>>) semaphore(%arg23 : memref<!tpu.dma_semaphore, #tpu.memory_space<semaphore_mem>>)
    %dma_start3A_26 = arith.constant 0 : i32
    %dma_start3A_27 = tpu.memref_slice %arg16[%dma_start3A_26] : memref<512xf32, #tpu.memory_space<vmem>> -> memref<512xf32, #tpu.memory_space<vmem>>
    %dma_start3A_28 = arith.constant 0 : i32
    %dma_start3A_29 = tpu.memref_slice %arg11[%dma_start3A_28] : memref<512xi32, #tpu.memory_space<vmem>> -> memref<512xi32, #tpu.memory_space<vmem>>
    %dma_start3A_30 = arith.constant 300000 : i32
    %dma_start3A_31 = tpu.memref_slice %arg2[%dma_start3A_30] : memref<400000xf32, #tpu.memory_space<hbm>> -> memref<100000xf32, #tpu.memory_space<hbm>>
    %dma_start3A_32 = arith.constant 0 : i32
    %dma_start3A_33 = tpu.memref_slice %dma_start3A_31[%dma_start3A_32] : memref<100000xf32, #tpu.memory_space<hbm>> -> memref<100000xf32, #tpu.memory_space<hbm>>
    tpu.enqueue_indirect_dma source(%dma_start3A_33 : memref<100000xf32, #tpu.memory_space<hbm>>) target(%dma_start3A_27 : memref<512xf32, #tpu.memory_space<vmem>>) offsets(%dma_start3A_29 : memref<512xi32, #tpu.memory_space<vmem>>) semaphore(%arg23 : memref<!tpu.dma_semaphore, #tpu.memory_space<semaphore_mem>>)
    "tpu.region"() ({
      %run_scoped3A = tpu.sem_alloc : memref<!tpu.dma_semaphore, #tpu.memory_space<semaphore_mem>>
      %dma_start3A_88 = tpu.memref_slice %arg7[%mul3A_2] : memref<16384xi32, #tpu.memory_space<hbm>> -> memref<512xi32, #tpu.memory_space<hbm>>
      %dma_start3A_89 = tpu.memref_slice %arg7[%mul3A_2] : memref<16384xi32, #tpu.memory_space<hbm>> -> memref<512xi32, #tpu.memory_space<hbm>>
      tpu.enqueue_dma source(%dma_start3A_89 : memref<512xi32, #tpu.memory_space<hbm>>) target(%arg12 : memref<512xi32, #tpu.memory_space<vmem>>) target_semaphore(%run_scoped3A : memref<!tpu.dma_semaphore, #tpu.memory_space<semaphore_mem>>)
      %dma_wait3A_90 = tpu.memref_slice %arg7[%mul3A_2] : memref<16384xi32, #tpu.memory_space<hbm>> -> memref<512xi32, #tpu.memory_space<hbm>>
      %dma_wait3A_91 = tpu.memref_slice %arg7[%mul3A_2] : memref<16384xi32, #tpu.memory_space<hbm>> -> memref<512xi32, #tpu.memory_space<hbm>>
      tpu.wait_dma2 semaphore(%run_scoped3A : memref<!tpu.dma_semaphore, #tpu.memory_space<semaphore_mem>>) src(%dma_wait3A_91 : memref<512xi32, #tpu.memory_space<hbm>>) dst(%arg12 : memref<512xi32, #tpu.memory_space<vmem>>)
      tpu.yield
    }) : () -> ()
    "tpu.region"() ({
      %run_scoped3A = tpu.sem_alloc : memref<!tpu.dma_semaphore, #tpu.memory_space<semaphore_mem>>
      %dma_start3A_88 = tpu.memref_slice %arg5[%mul3A_2] : memref<16384xf32, #tpu.memory_space<hbm>> -> memref<512xf32, #tpu.memory_space<hbm>>
      %dma_start3A_89 = tpu.memref_slice %arg5[%mul3A_2] : memref<16384xf32, #tpu.memory_space<hbm>> -> memref<512xf32, #tpu.memory_space<hbm>>
      tpu.enqueue_dma source(%dma_start3A_89 : memref<512xf32, #tpu.memory_space<hbm>>) target(%arg17 : memref<512xf32, #tpu.memory_space<vmem>>) target_semaphore(%run_scoped3A : memref<!tpu.dma_semaphore, #tpu.memory_space<semaphore_mem>>)
      %dma_wait3A_90 = tpu.memref_slice %arg5[%mul3A_2] : memref<16384xf32, #tpu.memory_space<hbm>> -> memref<512xf32, #tpu.memory_space<hbm>>
      %dma_wait3A_91 = tpu.memref_slice %arg5[%mul3A_2] : memref<16384xf32, #tpu.memory_space<hbm>> -> memref<512xf32, #tpu.memory_space<hbm>>
      tpu.wait_dma2 semaphore(%run_scoped3A : memref<!tpu.dma_semaphore, #tpu.memory_space<semaphore_mem>>) src(%dma_wait3A_91 : memref<512xf32, #tpu.memory_space<hbm>>) dst(%arg17 : memref<512xf32, #tpu.memory_space<vmem>>)
      tpu.yield
    }) : () -> ()
    "tpu.region"() ({
      %run_scoped3A = tpu.sem_alloc : memref<!tpu.dma_semaphore, #tpu.memory_space<semaphore_mem>>
      %dma_start3A_88 = tpu.memref_slice %arg6[%mul3A_2] : memref<16384xf32, #tpu.memory_space<hbm>> -> memref<512xf32, #tpu.memory_space<hbm>>
      %dma_start3A_89 = tpu.memref_slice %arg6[%mul3A_2] : memref<16384xf32, #tpu.memory_space<hbm>> -> memref<512xf32, #tpu.memory_space<hbm>>
      tpu.enqueue_dma source(%dma_start3A_89 : memref<512xf32, #tpu.memory_space<hbm>>) target(%arg18 : memref<512xf32, #tpu.memory_space<vmem>>) target_semaphore(%run_scoped3A : memref<!tpu.dma_semaphore, #tpu.memory_space<semaphore_mem>>)
      %dma_wait3A_90 = tpu.memref_slice %arg6[%mul3A_2] : memref<16384xf32, #tpu.memory_space<hbm>> -> memref<512xf32, #tpu.memory_space<hbm>>
      %dma_wait3A_91 = tpu.memref_slice %arg6[%mul3A_2] : memref<16384xf32, #tpu.memory_space<hbm>> -> memref<512xf32, #tpu.memory_space<hbm>>
      tpu.wait_dma2 semaphore(%run_scoped3A : memref<!tpu.dma_semaphore, #tpu.memory_space<semaphore_mem>>) src(%dma_wait3A_91 : memref<512xf32, #tpu.memory_space<hbm>>) dst(%arg18 : memref<512xf32, #tpu.memory_space<vmem>>)
      tpu.yield
    }) : () -> ()
    "tpu.region"() ({
      %run_scoped3A = tpu.sem_alloc : memref<!tpu.dma_semaphore, #tpu.memory_space<semaphore_mem>>
      tpu.enqueue_dma source(%arg3 : memref<300xf32, #tpu.memory_space<hbm>>) target(%arg20 : memref<300xf32, #tpu.memory_space<vmem>>) target_semaphore(%run_scoped3A : memref<!tpu.dma_semaphore, #tpu.memory_space<semaphore_mem>>)
      tpu.wait_dma2 semaphore(%run_scoped3A : memref<!tpu.dma_semaphore, #tpu.memory_space<semaphore_mem>>) src(%arg3 : memref<300xf32, #tpu.memory_space<hbm>>) dst(%arg20 : memref<300xf32, #tpu.memory_space<vmem>>)
      tpu.yield
    }) : () -> ()
    "tpu.region"() ({
      %run_scoped3A = tpu.sem_alloc : memref<!tpu.dma_semaphore, #tpu.memory_space<semaphore_mem>>
      tpu.enqueue_dma source(%arg4 : memref<100xf32, #tpu.memory_space<hbm>>) target(%arg21 : memref<100xf32, #tpu.memory_space<vmem>>) target_semaphore(%run_scoped3A : memref<!tpu.dma_semaphore, #tpu.memory_space<semaphore_mem>>)
      tpu.wait_dma2 semaphore(%run_scoped3A : memref<!tpu.dma_semaphore, #tpu.memory_space<semaphore_mem>>) src(%arg4 : memref<100xf32, #tpu.memory_space<hbm>>) dst(%arg21 : memref<100xf32, #tpu.memory_space<vmem>>)
      tpu.yield
    }) : () -> ()
    %iota3A = tpu.iota {dimensions = array<i32: 0>} : vector<16xi32>
    %broadcast_in_dim3A = arith.constant 0.000000e+00 : f32
    %broadcast_in_dim3A_34 = vector.broadcast %broadcast_in_dim3A : f32 to vector<16xf32>
    %dma_wait3A = arith.constant 0 : i32
    %dma_wait3A_35 = tpu.memref_slice %arg13[%dma_wait3A] : memref<512xf32, #tpu.memory_space<vmem>> -> memref<512xf32, #tpu.memory_space<vmem>>
    %dma_wait3A_36 = arith.constant 0 : i32
    %dma_wait3A_37 = tpu.memref_slice %arg11[%dma_wait3A_36] : memref<512xi32, #tpu.memory_space<vmem>> -> memref<512xi32, #tpu.memory_space<vmem>>
    %dma_wait3A_38 = arith.constant 0 : i32
    %dma_wait3A_39 = tpu.memref_slice %arg2[%dma_wait3A_38] : memref<400000xf32, #tpu.memory_space<hbm>> -> memref<100000xf32, #tpu.memory_space<hbm>>
    %dma_wait3A_40 = arith.constant 0 : i32
    %dma_wait3A_41 = tpu.memref_slice %dma_wait3A_39[%dma_wait3A_40] : memref<100000xf32, #tpu.memory_space<hbm>> -> memref<100000xf32, #tpu.memory_space<hbm>>
    tpu.wait_indirect_dma semaphore(%arg23 : memref<!tpu.dma_semaphore, #tpu.memory_space<semaphore_mem>>) src(%dma_wait3A_41 : memref<100000xf32, #tpu.memory_space<hbm>>) dst(%dma_wait3A_35 : memref<512xf32, #tpu.memory_space<vmem>>)
    %dma_wait3A_42 = arith.constant 0 : i32
    %dma_wait3A_43 = tpu.memref_slice %arg14[%dma_wait3A_42] : memref<512xf32, #tpu.memory_space<vmem>> -> memref<512xf32, #tpu.memory_space<vmem>>
    %dma_wait3A_44 = arith.constant 0 : i32
    %dma_wait3A_45 = tpu.memref_slice %arg11[%dma_wait3A_44] : memref<512xi32, #tpu.memory_space<vmem>> -> memref<512xi32, #tpu.memory_space<vmem>>
    %dma_wait3A_46 = arith.constant 100000 : i32
    %dma_wait3A_47 = tpu.memref_slice %arg2[%dma_wait3A_46] : memref<400000xf32, #tpu.memory_space<hbm>> -> memref<100000xf32, #tpu.memory_space<hbm>>
    %dma_wait3A_48 = arith.constant 0 : i32
    %dma_wait3A_49 = tpu.memref_slice %dma_wait3A_47[%dma_wait3A_48] : memref<100000xf32, #tpu.memory_space<hbm>> -> memref<100000xf32, #tpu.memory_space<hbm>>
    tpu.wait_indirect_dma semaphore(%arg23 : memref<!tpu.dma_semaphore, #tpu.memory_space<semaphore_mem>>) src(%dma_wait3A_49 : memref<100000xf32, #tpu.memory_space<hbm>>) dst(%dma_wait3A_43 : memref<512xf32, #tpu.memory_space<vmem>>)
    %dma_wait3A_50 = arith.constant 0 : i32
    %dma_wait3A_51 = tpu.memref_slice %arg15[%dma_wait3A_50] : memref<512xf32, #tpu.memory_space<vmem>> -> memref<512xf32, #tpu.memory_space<vmem>>
    %dma_wait3A_52 = arith.constant 0 : i32
    %dma_wait3A_53 = tpu.memref_slice %arg11[%dma_wait3A_52] : memref<512xi32, #tpu.memory_space<vmem>> -> memref<512xi32, #tpu.memory_space<vmem>>
    %dma_wait3A_54 = arith.constant 200000 : i32
    %dma_wait3A_55 = tpu.memref_slice %arg2[%dma_wait3A_54] : memref<400000xf32, #tpu.memory_space<hbm>> -> memref<100000xf32, #tpu.memory_space<hbm>>
    %dma_wait3A_56 = arith.constant 0 : i32
    %dma_wait3A_57 = tpu.memref_slice %dma_wait3A_55[%dma_wait3A_56] : memref<100000xf32, #tpu.memory_space<hbm>> -> memref<100000xf32, #tpu.memory_space<hbm>>
    tpu.wait_indirect_dma semaphore(%arg23 : memref<!tpu.dma_semaphore, #tpu.memory_space<semaphore_mem>>) src(%dma_wait3A_57 : memref<100000xf32, #tpu.memory_space<hbm>>) dst(%dma_wait3A_51 : memref<512xf32, #tpu.memory_space<vmem>>)
    %dma_wait3A_58 = arith.constant 0 : i32
    %dma_wait3A_59 = tpu.memref_slice %arg16[%dma_wait3A_58] : memref<512xf32, #tpu.memory_space<vmem>> -> memref<512xf32, #tpu.memory_space<vmem>>
    %dma_wait3A_60 = arith.constant 0 : i32
    %dma_wait3A_61 = tpu.memref_slice %arg11[%dma_wait3A_60] : memref<512xi32, #tpu.memory_space<vmem>> -> memref<512xi32, #tpu.memory_space<vmem>>
    %dma_wait3A_62 = arith.constant 300000 : i32
    %dma_wait3A_63 = tpu.memref_slice %arg2[%dma_wait3A_62] : memref<400000xf32, #tpu.memory_space<hbm>> -> memref<100000xf32, #tpu.memory_space<hbm>>
    %dma_wait3A_64 = arith.constant 0 : i32
    %dma_wait3A_65 = tpu.memref_slice %dma_wait3A_63[%dma_wait3A_64] : memref<100000xf32, #tpu.memory_space<hbm>> -> memref<100000xf32, #tpu.memory_space<hbm>>
    tpu.wait_indirect_dma semaphore(%arg23 : memref<!tpu.dma_semaphore, #tpu.memory_space<semaphore_mem>>) src(%dma_wait3A_65 : memref<100000xf32, #tpu.memory_space<hbm>>) dst(%dma_wait3A_59 : memref<512xf32, #tpu.memory_space<vmem>>)
    %scan3A = arith.constant 0 : i32
    %scan3A_66 = arith.constant 32 : i32
    %scan3A_67 = arith.addi %scan3A, %scan3A_66 : i32
    %scan3A_68 = arith.constant 1 : i32
    %scan3A_69:2 = scf.for %scan3A_88 = %scan3A to %scan3A_67 step %scan3A_68 iter_args(%scan3A_89 = %broadcast_in_dim3A_34, %scan3A_90 = %broadcast_in_dim3A_34) -> (vector<16xf32>, vector<16xf32>)  : i32 {
      %mul3A_91 = arith.constant 16 : i32
      %mul3A_92 = arith.muli %scan3A_88, %mul3A_91 : i32
      %get3A = arith.index_cast %mul3A_92 : i32 to index
      %get3A_93 = tpu.vector_load %arg12[%get3A] {strides = array<i32>} : memref<512xi32, #tpu.memory_space<vmem>>, vector<16xi32>,
      %get3A_94 = arith.index_cast %mul3A_92 : i32 to index
      %get3A_95 = tpu.vector_load %arg13[%get3A_94] {strides = array<i32>} : memref<512xf32, #tpu.memory_space<vmem>>, vector<16xf32>,
      %get3A_96 = arith.index_cast %mul3A_92 : i32 to index
      %get3A_97 = tpu.vector_load %arg14[%get3A_96] {strides = array<i32>} : memref<512xf32, #tpu.memory_space<vmem>>, vector<16xf32>,
      %get3A_98 = arith.index_cast %mul3A_92 : i32 to index
      %get3A_99 = tpu.vector_load %arg15[%get3A_98] {strides = array<i32>} : memref<512xf32, #tpu.memory_space<vmem>>, vector<16xf32>,
      %get3A_100 = arith.index_cast %mul3A_92 : i32 to index
      %get3A_101 = tpu.vector_load %arg16[%get3A_100] {strides = array<i32>} : memref<512xf32, #tpu.memory_space<vmem>>, vector<16xf32>,
      %get3A_102 = arith.index_cast %mul3A_92 : i32 to index
      %get3A_103 = tpu.vector_load %arg17[%get3A_102] {strides = array<i32>} : memref<512xf32, #tpu.memory_space<vmem>>, vector<16xf32>,
      %get3A_104 = arith.index_cast %mul3A_92 : i32 to index
      %get3A_105 = tpu.vector_load %arg18[%get3A_104] {strides = array<i32>} : memref<512xf32, #tpu.memory_space<vmem>>, vector<16xf32>,
      %mul3A_106 = arith.constant 3 : i32
      %mul3A_107 = vector.broadcast %mul3A_106 : i32 to vector<16xi32>
      %mul3A_108 = arith.muli %get3A_93, %mul3A_107 : vector<16xi32>
      %gather3A = tpu.vector_load_idx %arg20[%mul3A_108] : memref<300xf32, #tpu.memory_space<vmem>>[vector<16xi32>], vector<16xf32>,
      %add3A_109 = arith.constant 1 : i32
      %add3A_110 = vector.broadcast %add3A_109 : i32 to vector<16xi32>
      %add3A_111 = arith.addi %mul3A_108, %add3A_110 : vector<16xi32>
      %gather3A_112 = tpu.vector_load_idx %arg20[%add3A_111] : memref<300xf32, #tpu.memory_space<vmem>>[vector<16xi32>], vector<16xf32>,
      %add3A_113 = arith.constant 2 : i32
      %add3A_114 = vector.broadcast %add3A_113 : i32 to vector<16xi32>
      %add3A_115 = arith.addi %mul3A_108, %add3A_114 : vector<16xi32>
      %gather3A_116 = tpu.vector_load_idx %arg20[%add3A_115] : memref<300xf32, #tpu.memory_space<vmem>>[vector<16xi32>], vector<16xf32>,
      %gather3A_117 = tpu.vector_load_idx %arg21[%get3A_93] : memref<100xf32, #tpu.memory_space<vmem>>[vector<16xi32>], vector<16xf32>,
      %sub3A = arith.subf %get3A_95, %gather3A : vector<16xf32>
      %sub3A_118 = arith.subf %get3A_97, %gather3A_112 : vector<16xf32>
      %sub3A_119 = arith.subf %get3A_99, %gather3A_116 : vector<16xf32>
      %mul3A_120 = arith.mulf %sub3A, %sub3A : vector<16xf32>
      %mul3A_121 = arith.mulf %sub3A_118, %sub3A_118 : vector<16xf32>
      %add3A_122 = arith.addf %mul3A_120, %mul3A_121 : vector<16xf32>
      %mul3A_123 = arith.mulf %sub3A_119, %sub3A_119 : vector<16xf32>
      %add3A_124 = arith.addf %add3A_122, %mul3A_123 : vector<16xf32>
      %bitcast3A = vector.bitcast %add3A_124 : vector<16xf32> to vector<16xi32>
      %shift_right_arithmetic3A = arith.constant 1 : i32
      %shift_right_arithmetic3A_125 = vector.broadcast %shift_right_arithmetic3A : i32 to vector<16xi32>
      %shift_right_arithmetic3A_126 = arith.shrsi %bitcast3A, %shift_right_arithmetic3A_125 : vector<16xi32>
      %sub3A_127 = arith.constant 1597463007 : i32
      %sub3A_128 = vector.broadcast %sub3A_127 : i32 to vector<16xi32>
      %sub3A_129 = arith.subi %sub3A_128, %shift_right_arithmetic3A_126 : vector<16xi32>
      %bitcast3A_130 = vector.bitcast %sub3A_129 : vector<16xi32> to vector<16xf32>
      %mul3A_131 = arith.constant 5.000000e-01 : f32
      %mul3A_132 = vector.broadcast %mul3A_131 : f32 to vector<16xf32>
      %mul3A_133 = arith.mulf %mul3A_132, %add3A_124 : vector<16xf32>
      %mul3A_134 = arith.mulf %mul3A_133, %bitcast3A_130 : vector<16xf32>
      %mul3A_135 = arith.mulf %mul3A_134, %bitcast3A_130 : vector<16xf32>
      %sub3A_136 = arith.constant 1.500000e+00 : f32
      %sub3A_137 = vector.broadcast %sub3A_136 : f32 to vector<16xf32>
      %sub3A_138 = arith.subf %sub3A_137, %mul3A_135 : vector<16xf32>
      %mul3A_139 = arith.mulf %bitcast3A_130, %sub3A_138 : vector<16xf32>
      %mul3A_140 = arith.constant 5.000000e-01 : f32
      %mul3A_141 = vector.broadcast %mul3A_140 : f32 to vector<16xf32>
      %mul3A_142 = arith.mulf %mul3A_141, %add3A_124 : vector<16xf32>
      %mul3A_143 = arith.mulf %mul3A_142, %mul3A_139 : vector<16xf32>
      %mul3A_144 = arith.mulf %mul3A_143, %mul3A_139 : vector<16xf32>
      %sub3A_145 = arith.constant 1.500000e+00 : f32
      %sub3A_146 = vector.broadcast %sub3A_145 : f32 to vector<16xf32>
      %sub3A_147 = arith.subf %sub3A_146, %mul3A_144 : vector<16xf32>
      %mul3A_148 = arith.mulf %mul3A_139, %sub3A_147 : vector<16xf32>
      %mul3A_149 = arith.constant 5.000000e-01 : f32
      %mul3A_150 = vector.broadcast %mul3A_149 : f32 to vector<16xf32>
      %mul3A_151 = arith.mulf %mul3A_150, %add3A_124 : vector<16xf32>
      %mul3A_152 = arith.mulf %mul3A_151, %mul3A_148 : vector<16xf32>
      %mul3A_153 = arith.mulf %mul3A_152, %mul3A_148 : vector<16xf32>
      %sub3A_154 = arith.constant 1.500000e+00 : f32
      %sub3A_155 = vector.broadcast %sub3A_154 : f32 to vector<16xf32>
      %sub3A_156 = arith.subf %sub3A_155, %mul3A_153 : vector<16xf32>
      %mul3A_157 = arith.mulf %mul3A_148, %sub3A_156 : vector<16xf32>
      %mul3A_158 = arith.constant 5.000000e-01 : f32
      %mul3A_159 = vector.broadcast %mul3A_158 : f32 to vector<16xf32>
      %mul3A_160 = arith.mulf %mul3A_159, %add3A_124 : vector<16xf32>
      %mul3A_161 = arith.mulf %mul3A_160, %mul3A_157 : vector<16xf32>
      %mul3A_162 = arith.mulf %mul3A_161, %mul3A_157 : vector<16xf32>
      %sub3A_163 = arith.constant 1.500000e+00 : f32
      %sub3A_164 = vector.broadcast %sub3A_163 : f32 to vector<16xf32>
      %sub3A_165 = arith.subf %sub3A_164, %mul3A_162 : vector<16xf32>
      %mul3A_166 = arith.mulf %mul3A_157, %sub3A_165 : vector<16xf32>
      %mul3A_167 = arith.mulf %add3A_124, %mul3A_166 : vector<16xf32>
      %add3A_168 = arith.addf %get3A_101, %mul3A_167 : vector<16xf32>
      %add3A_169 = arith.addf %add3A_168, %gather3A_117 : vector<16xf32>
      %swap3A_170 = arith.index_cast %mul3A_92 : i32 to index
      %swap3A_171 = tpu.vector_load %arg19[%swap3A_170] {strides = array<i32>} : memref<512xf32, #tpu.memory_space<vmem>>, vector<16xf32>,
      tpu.vector_store %arg19[%swap3A_170], %add3A_169 {strides = array<i32>} : memref<512xf32, #tpu.memory_space<vmem>>, vector<16xf32>,
      %sub3A_172 = arith.subf %add3A_169, %get3A_103 : vector<16xf32>
      %abs3A = math.absf %sub3A_172 : vector<16xf32>
      %lt3A = arith.constant 1.000000e+00 : f32
      %lt3A_173 = vector.broadcast %lt3A : f32 to vector<16xf32>
      %lt3A_174 = arith.cmpf olt, %abs3A, %lt3A_173 : vector<16xf32>
      %mul3A_175 = arith.constant 5.000000e-01 : f32
      %mul3A_176 = vector.broadcast %mul3A_175 : f32 to vector<16xf32>
      %mul3A_177 = arith.mulf %mul3A_176, %sub3A_172 : vector<16xf32>
      %mul3A_178 = arith.mulf %mul3A_177, %sub3A_172 : vector<16xf32>
      %sub3A_179 = arith.constant 5.000000e-01 : f32
      %sub3A_180 = vector.broadcast %sub3A_179 : f32 to vector<16xf32>
      %sub3A_181 = arith.subf %abs3A, %sub3A_180 : vector<16xf32>
      %select_n3A_182 = arith.select %lt3A_174, %mul3A_178, %sub3A_181 : vector<16xi1>, vector<16xf32>
      %mul3A_183 = arith.mulf %select_n3A_182, %get3A_105 : vector<16xf32>
      %add3A_184 = arith.addf %scan3A_89, %mul3A_183 : vector<16xf32>
      %abs3A_185 = math.absf %gather3A_117 : vector<16xf32>
      %add3A_186 = arith.addf %scan3A_90, %abs3A_185 : vector<16xf32>
      scf.yield %add3A_184, %add3A_186 : vector<16xf32>, vector<16xf32>
    }
    %scan3A_70 = arith.constant 32 : i32
    %reduce_sum3A = arith.constant true
    %reduce_sum3A_71 = vector.broadcast %reduce_sum3A : i1 to vector<16xi1>
    %reduce_sum3A_72 = tpu.scan <sum>, %scan3A_69#0 masked %reduce_sum3A_71 : vector<16xf32>, vector<16xi1> -> vector<16xf32>
    %reduce_sum3A_73 = vector.extract %reduce_sum3A_72[15] : f32 from vector<16xf32>
    %reduce_sum3A_74 = arith.constant true
    %reduce_sum3A_75 = vector.broadcast %reduce_sum3A_74 : i1 to vector<16xi1>
    %reduce_sum3A_76 = tpu.scan <sum>, %scan3A_69#1 masked %reduce_sum3A_75 : vector<16xf32>, vector<16xi1> -> vector<16xf32>
    %reduce_sum3A_77 = vector.extract %reduce_sum3A_76[15] : f32 from vector<16xf32>
    %eq3A = arith.constant 0 : i32
    %eq3A_78 = vector.broadcast %eq3A : i32 to vector<16xi32>
    %eq3A_79 = arith.cmpi eq, %iota3A, %eq3A_78 : vector<16xi32>
    %eq3A_80 = arith.constant 1 : i32
    %eq3A_81 = vector.broadcast %eq3A_80 : i32 to vector<16xi32>
    %eq3A_82 = arith.cmpi eq, %iota3A, %eq3A_81 : vector<16xi32>
    %jit3A = arith.constant 0.000000e+00 : f32
    %broadcast_in_dim3A_83 = vector.broadcast %reduce_sum3A_77 : f32 to vector<16xf32>
    %broadcast_in_dim3A_84 = vector.broadcast %jit3A : f32 to vector<16xf32>
    %select_n3A = arith.select %eq3A_82, %broadcast_in_dim3A_83, %broadcast_in_dim3A_84 : vector<16xi1>, vector<16xf32>
    %broadcast_in_dim3A_85 = vector.broadcast %reduce_sum3A_73 : f32 to vector<16xf32>
    %select_n3A_86 = arith.select %eq3A_79, %broadcast_in_dim3A_85, %select_n3A : vector<16xi1>, vector<16xf32>
    %swap3A = arith.constant 0 : index
    %swap3A_87 = tpu.vector_load %arg22[%swap3A] {strides = array<i32>} : memref<16xf32, #tpu.memory_space<vmem>>, vector<16xf32>,
    tpu.vector_store %arg22[%swap3A], %select_n3A_86 {strides = array<i32>} : memref<16xf32, #tpu.memory_space<vmem>>, vector<16xf32>,
    "tpu.region"() ({
      %run_scoped3A = tpu.sem_alloc : memref<!tpu.dma_semaphore, #tpu.memory_space<semaphore_mem>>
      %dma_start3A_88 = tpu.memref_slice %arg9[%mul3A_2] : memref<16384xf32, #tpu.memory_space<hbm>> -> memref<512xf32, #tpu.memory_space<hbm>>
      %dma_start3A_89 = tpu.memref_slice %arg9[%mul3A_2] : memref<16384xf32, #tpu.memory_space<hbm>> -> memref<512xf32, #tpu.memory_space<hbm>>
      tpu.enqueue_dma source(%arg19 : memref<512xf32, #tpu.memory_space<vmem>>) target(%dma_start3A_89 : memref<512xf32, #tpu.memory_space<hbm>>) target_semaphore(%run_scoped3A : memref<!tpu.dma_semaphore, #tpu.memory_space<semaphore_mem>>)
      %dma_wait3A_90 = tpu.memref_slice %arg9[%mul3A_2] : memref<16384xf32, #tpu.memory_space<hbm>> -> memref<512xf32, #tpu.memory_space<hbm>>
      %dma_wait3A_91 = tpu.memref_slice %arg9[%mul3A_2] : memref<16384xf32, #tpu.memory_space<hbm>> -> memref<512xf32, #tpu.memory_space<hbm>>
      tpu.wait_dma2 semaphore(%run_scoped3A : memref<!tpu.dma_semaphore, #tpu.memory_space<semaphore_mem>>) src(%arg19 : memref<512xf32, #tpu.memory_space<vmem>>) dst(%dma_wait3A_91 : memref<512xf32, #tpu.memory_space<hbm>>)
      tpu.yield
    }) : () -> ()
    "tpu.region"() ({
      %run_scoped3A = tpu.sem_alloc : memref<!tpu.dma_semaphore, #tpu.memory_space<semaphore_mem>>
      %dma_start3A_88 = arith.constant 0 : i32
      %dma_start3A_89 = tpu.memref_slice %arg10[%add3A, %dma_start3A_88] : memref<32x16xf32, #tpu.memory_space<hbm>> -> memref<1x16xf32, #tpu.memory_space<hbm>>
      %dma_start3A_90 = tpu.memref_squeeze %dma_start3A_89 : memref<1x16xf32, #tpu.memory_space<hbm>> -> memref<16xf32, #tpu.memory_space<hbm>>
      %dma_start3A_91 = arith.constant 0 : i32
      %dma_start3A_92 = tpu.memref_slice %arg10[%add3A, %dma_start3A_91] : memref<32x16xf32, #tpu.memory_space<hbm>> -> memref<1x16xf32, #tpu.memory_space<hbm>>
      %dma_start3A_93 = tpu.memref_squeeze %dma_start3A_92 : memref<1x16xf32, #tpu.memory_space<hbm>> -> memref<16xf32, #tpu.memory_space<hbm>>
      tpu.enqueue_dma source(%arg22 : memref<16xf32, #tpu.memory_space<vmem>>) target(%dma_start3A_93 : memref<16xf32, #tpu.memory_space<hbm>>) target_semaphore(%run_scoped3A : memref<!tpu.dma_semaphore, #tpu.memory_space<semaphore_mem>>)
      %dma_wait3A_94 = arith.constant 0 : i32
      %dma_wait3A_95 = tpu.memref_slice %arg10[%add3A, %dma_wait3A_94] : memref<32x16xf32, #tpu.memory_space<hbm>> -> memref<1x16xf32, #tpu.memory_space<hbm>>
      %dma_wait3A_96 = tpu.memref_squeeze %dma_wait3A_95 : memref<1x16xf32, #tpu.memory_space<hbm>> -> memref<16xf32, #tpu.memory_space<hbm>>
      %dma_wait3A_97 = arith.constant 0 : i32
      %dma_wait3A_98 = tpu.memref_slice %arg10[%add3A, %dma_wait3A_97] : memref<32x16xf32, #tpu.memory_space<hbm>> -> memref<1x16xf32, #tpu.memory_space<hbm>>
      %dma_wait3A_99 = tpu.memref_squeeze %dma_wait3A_98 : memref<1x16xf32, #tpu.memory_space<hbm>> -> memref<16xf32, #tpu.memory_space<hbm>>
      tpu.wait_dma2 semaphore(%run_scoped3A : memref<!tpu.dma_semaphore, #tpu.memory_space<semaphore_mem>>) src(%arg22 : memref<16xf32, #tpu.memory_space<vmem>>) dst(%dma_wait3A_99 : memref<16xf32, #tpu.memory_space<hbm>>)
      tpu.yield
    }) : () -> ()
    return
  }
}

</mosaic_0001>

<sc_bundles>
// kernel: travel_time_sc.3.cloned.1.call-start
scs
__scs_entry_jumppad:
0x0: {  	(pc) =	sbr.rel $0x88, $3  }
0x1: {  	(tag) =	ssettag $0x0;
	lr =	simm.s32 $0x1  }
0x2: {  	[smem:$0x3F9A] =	sst lr;
	_ =	strace $0xD0000000  }
0x3: {  	_ = 	snop  }
0x4: {  	_ = 	snop  }
0x5: {  	_ = 	snop  }
0x6: {  	_ = 	snop  }
0x7: {  	_ = 	snop  }
__scs_overlays_trampoline_lowered:
0x8: {  	[smem:$0x3FA9] =	sst s0  }
0x9: {  	[smem:$0x3FAA] =	sst s1  }
0xa: {  	[smem:$0x3FAB] =	sst s2  }
0xb: {  	[smem:$0x3FAC] =	sst s3  }
0xc: {  	[smem:$0x3FAD] =	sst s4  }
0xd: {  	[smem:$0x3FAE] =	sst s5  }
0xe: {  	[smem:$0x3FAF] =	sst s6  }
0xf: {  	[smem:$0x3FB0] =	sst s7  }
0x10: {  	[smem:$0x3FB1] =	sst s8  }
0x11: {  	[smem:$0x3FB2] =	sst s9;
	s0 =	simm.s32 @!p0 $0x0  }
0x12: {  	s1 =	sld [smem:$0x3F98];
	s0 =	simm.s32 @p0 $0x1  }
0x13: {  	[smem:$0x3FB3] =	sst s0;
	s0 =	simm.s32 @!p1 $0x0  }
0x14: {  	s2 =	sld [smem:$0x3F97];
	s0 =	simm.s32 @p1 $0x1  }
0x15: {  	[smem:$0x3FB4] =	sst s0;
	s0 =	simm.s32 @!p2 $0x0  }
0x16: {  	s3 =	sld [smem:$0x3FDB];
	s0 =	simm.s32 @p2 $0x1  }
0x17: {  	s4 =	simm.s32 $0x1BF5;
	[smem:$0x3FB6] =	sst s0  }
0x18: {  	s0 =	sld [smem:$0x3F99];
	_ =	swait.ge [sflag:s4], $0x0  }
0x19: {  	s7 =	sld [smem:$0x3F9A]  }
0x1a: {  	s8 =	sadd.s32 $0xFFFFE003, lr  }
0x1b: {  	s9 =	sadd.s32 $0xFFFFFEF7, lr;
	s5 =	simm.s32 $0xFFFFFFFF;
	p2 =	slt.u32 s8, $0xFFFFF086  }
0x1c: {  	p1 =	slt.u32 s9, $0xF7A;
	s5 =	simm.s32 @!p2 $0x0  }
0x1d: {  	s5 =	simm.s32 @p1 $0x1;
	p0 =	seq.s32 s7, s2  }
0x1e: {  	s7 =	smul.u32 @!p0 $0xF7A, s2;
	p2 =	seq.s32 @!p0 s5, $0x0  }
0x1f: {  	s9 =	smul.u32 $0xF7A, s1;
	s8 =	simm.s32 @!p0 $0x1BF5;
	p2 =	por !p2, p0  }
0x20: {  	[sflag:s8] =	ssyncset.s32 @!p0 $0xFFFFF086;
	s6 =	sadd.s32 @!p0 s3, s7;
	s7 =	simm.s32 @!p0 $0x108  }
0x21: {  	s3 =	sadd.s32 s3, s9;
	s6 =	sadd.s32 @!p0 $0x88, s6;
	s7 =	simm.s32 @p2 $0x1082  }
0x22: {  	[simem:s7], [sflag:s8] =	dma.local @!p0 [hbm:s6], $0xF7A  }
0x23: {  	s9 =	sor.u32 $0xD0000000, s2;
	s6 =	simm.s32 $0x108;
	_ =	swait.ge @!p0 [sflag:s8], $0x0  }
0x24: {  	s3 =	sadd.s32 $0x88, s3;
	s6 =	simm.s32 @!p1 $0x1082;
	[sflag:s4] =	ssyncset.s32 $0xFFFFF086  }
0x25: {  	[simem:s6], [sflag:s4] =	dma.local [hbm:s3], $0xF7A  }
0x26: {  	[smem:$0x3F9A] =	sst s1;
	(tag) =	ssettag s2;
	_ =	strace s9  }
0x27: {  	s1 =	sld [smem:$0x3FAA]  }
0x28: {  	s2 =	sld [smem:$0x3FAB]  }
0x29: {  	s4 =	sld [smem:$0x3FAD]  }
0x2a: {  	p0 =	seq.s32 s5, $0x0;
	s5 =	sld [smem:$0x3FAE]  }
0x2b: {  	s6 =	sld [smem:$0x3FAF]  }
0x2c: {  	s7 =	sld [smem:$0x3FB0]  }
0x2d: {  	s3 =	simm.s32 $0x108;
	s8 =	sld [smem:$0x3FB1]  }
0x2e: {  	s3 =	simm.s32 @!p0 $0x1082;
	s9 =	sld [smem:$0x3FB2]  }
0x2f: {  	lr =	sadd.s32 s0, s3;
	s0 =	sld [smem:$0x3FA9]  }
0x30: {  	s3 =	sld [smem:$0x3FAC]  }
0x31: {  	[smem:$0x3FB5] =	sst s10  }
0x32: {  	s10 =	sld [smem:$0x3FB3];
	_ =	sdelay $0x3  }
0x33: {  	p0 =	seq.s32 s10, $0x1;
	s10 =	sld [smem:$0x3FB5];
	_ =	sdelay $0x3  }
0x34: {  	[smem:$0x3FB5] =	sst s10  }
0x35: {  	s10 =	sld [smem:$0x3FB4];
	_ =	sdelay $0x3  }
0x36: {  	p1 =	seq.s32 s10, $0x1;
	s10 =	sld [smem:$0x3FB5];
	_ =	sdelay $0x3  }
0x37: {  	[smem:$0x3FB5] =	sst s10  }
0x38: {  	s10 =	sld [smem:$0x3FB6]  }
0x39: {  	_ = 	snop;
	(pc) =	sbr.ind lr, $3  }
0x3a: {  	_ = 	snop  }
0x3b: {  	_ = 	snop  }
0x3c: {  	p2 =	seq.s32 s10, $0x1;
	s10 =	sld [smem:$0x3FB5]  }
0x3d: {  	_ =	shalt  }
0x3e: {  	_ =	shalt  }
0x3f: {  	_ =	shalt  }
0x40: {  	_ =	shalt  }
0x41: {  	_ =	shalt  }
0x42: {  	_ =	shalt  }
0x43: {  	_ =	shalt  }
0x44: {  	_ =	shalt  }
0x45: {  	_ =	shalt  }
0x46: {  	_ =	shalt  }
0x47: {  	_ =	shalt  }
0x48: {  	_ =	shalt  }
0x49: {  	_ =	shalt  }
0x4a: {  	_ =	shalt  }
0x4b: {  	_ =	shalt  }
0x4c: {  	_ =	shalt  }
0x4d: {  	_ =	shalt  }
0x4e: {  	_ =	shalt  }
0x4f: {  	_ =	shalt  }
0x50: {  	_ =	shalt  }
0x51: {  	_ =	shalt  }
0x52: {  	_ =	shalt  }
0x53: {  	_ =	shalt  }
0x54: {  	_ =	shalt  }
0x55: {  	_ =	shalt  }
0x56: {  	_ =	shalt  }
0x57: {  	_ =	shalt  }
0x58: {  	_ =	shalt  }
0x59: {  	_ =	shalt  }
0x5a: {  	_ =	shalt  }
0x5b: {  	_ =	shalt  }
0x5c: {  	_ =	shalt  }
0x5d: {  	_ =	shalt  }
0x5e: {  	_ =	shalt  }
0x5f: {  	_ =	shalt  }
0x60: {  	_ =	shalt  }
0x61: {  	_ =	shalt  }
0x62: {  	_ =	shalt  }
0x63: {  	_ =	shalt  }
0x64: {  	_ =	shalt  }
0x65: {  	_ =	shalt  }
0x66: {  	_ =	shalt  }
0x67: {  	_ =	shalt  }
0x68: {  	_ =	shalt  }
0x69: {  	_ =	shalt  }
0x6a: {  	_ =	shalt  }
0x6b: {  	_ =	shalt  }
0x6c: {  	_ =	shalt  }
0x6d: {  	_ =	shalt  }
0x6e: {  	_ =	shalt  }
0x6f: {  	_ =	shalt  }
0x70: {  	_ =	shalt  }
0x71: {  	_ =	shalt  }
0x72: {  	_ =	shalt  }
0x73: {  	_ =	shalt  }
0x74: {  	_ =	shalt  }
0x75: {  	_ =	shalt  }
0x76: {  	_ =	shalt  }
0x77: {  	_ =	shalt  }
0x78: {  	_ =	shalt  }
0x79: {  	_ =	shalt  }
0x7a: {  	_ =	shalt  }
0x7b: {  	_ =	shalt  }
0x7c: {  	_ =	shalt  }
0x7d: {  	_ =	shalt  }
0x7e: {  	_ =	shalt  }
0x7f: {  	_ =	shalt  }
0x80: {  	_ =	shalt  }
0x81: {  	_ =	shalt  }
0x82: {  	_ =	shalt  }
0x83: {  	_ =	shalt  }
0x84: {  	_ =	shalt  }
0x85: {  	_ =	shalt  }
0x86: {  	_ =	shalt  }
0x87: {  	_ =	shalt  }
.Lfunc_end0:
.L_simem_size_0:
called_computation_lowered:
.L_overlay_start_0:
0x88: {  	s2 =	sld [smem:$0x3FD9]  }
0x89: {  	s3 =	sld [smem:$0x3FFE];
	_ =	sdelay $0x1  }
0x8a: {  	s1 =	srdreg.scid  }
0x8b: {  	s0 =	sand.u32 $0x1, s1  }
0x8c: {  	s14 =	sshll.u32 s0, $0xA;
	s2 =	sadd.s32 s3, s2  }
0x8d: {  	s2 =	sadd.s32 s2, s14  }
0x8e: {  	[smem:$0x3FC1] =	sst s2  }
0x8f: {  	_ = 	snop  }
0x90: {  	s2 =	sld [smem:$0x3FC9]  }
0x91: {  	s15 =	sld [smem:$0x3FC8]  }
0x92: {  	s4 =	sld [smem:$0x3FC7]  }
0x93: {  	s5 =	sld [smem:$0x3FC6]  }
0x94: {  	s6 =	sld [smem:$0x3FD0]  }
0x95: {  	s7 =	sld [smem:$0x3FC5]  }
0x96: {  	s8 =	sld [smem:$0x3FC4]  }
0x97: {  	s10 =	simm.s32 $0xA;
	s11 =	simm.s32 $0x10;
	s9 =	sld [smem:$0x3FC3]  }
0x98: {  	[smem:s11], [sflag:s10] =	dma.local [hbm:s6], $0x1  }
0x99: {  	_ =	swait.eq [sflag:s10], $0x1  }
0x9a: {  	[sflag:s10] =	ssyncset.done $0x0  }
0x9b: {  	[sflag:s10] =	ssyncadd.s32 $0xFFFFFFFF  }
0x9c: {  	s16 =	sld [smem:$0x10];
	(tm) =	ssettm $0x1  }
0x9d: {  	s17 =	sld [smem:$0x3FFB];
	_ =	sdelay $0x3  }
0x9e: {  	_ =	strace s17  }
0x9f: {  	s10 =	sld [smem:$0x3FFC];
	_ =	sdelay $0x3  }
0xa0: {  	_ =	strace s10  }
0xa1: {  	s10 =	sld [smem:$0x3FFD];
	_ =	sdelay $0x3  }
0xa2: {  	_ =	strace s10  }
0xa3: {  	_ =	strace $0x8FFFFFFF  }
0xa4: {  	s18 =	sld [smem:$0x3FDB];
	_ =	sdelay $0x1  }
0xa5: {  	s19 =	simm.s32 $_scs_section_size  }
0xa6: {  	s12 =	simm.s32 $_size__tile_overlayer_lowered;
	s13 =	simm.s32 $_tile_overlayer_lowered  }
0xa7: {  	s22 =	simm.s32 $0x1BFF;
	s21 =	sshll.u32 s13, $0x1;
	s10 =	sadd.s32 s19, s18  }
0xa8: {  	s20 =	sshll.u32 s12, $0x1;
	s14 =	simm.s32 $0x0;
	s12 =	sadd.s32 s21, s10  }
0xa9: {  	[timem:s14], [sflag:s22] =	dma.local [hbm:s12], s20  }
0xaa: {  	_ =	swait.ge [sflag:s22], s20  }
0xab: {  	s11 =	ssub.s32 $0x0, s20;
	[sflag:s22] =	ssyncset.done $0x0  }
0xac: {  	[sflag:s22] =	ssyncadd.s32 s11;
	_ =	sdelay $0x1  }
0xad: {  	s23 =	simm.s32 $0x1B8B  }
0xae: {  	_ =	swait.ge [sflag:s23], $0x1  }
0xaf: {  	[sflag:s23] =	ssyncset.done $0x0  }
0xb0: {  	s25 =	simm.s32 $0x1B8E;
	s24 =	sld [smem:$0x3FFE];
	[sflag:s23] =	ssyncadd.s32 $0xFFFFFFFF  }
0xb1: {  	s26 =	simm.s32 $execute0_lowered;
	[smem:$0x3FD2] =	sst s25  }
0xb2: {  	s12 =	sshll.u32 s26, $0x1;
	_ =	strace $0x80000046;
	[dreg:$0x1] =	wrdreg $0xFFFFFFFF  }
0xb3: {  	s28 =	simm.s32 $_size_execute0_lowered;
	s10 =	sadd.s32 s10, s12;
	[dreg:$0x0] =	wrdreg $0x0  }
0xb4: {  	s12 =	sshll.u32 s28, $0x1;
	[dreg:$0x2] =	wrdreg s10  }
0xb5: {  	[dreg:$0x3] =	wrdreg s12  }
0xb6: {  	[dreg:$0x4] =	wrdreg $0xC0  }
0xb7: {  	_ =	task [dreg:s14], $0x5FFFF  }
0xb8: {  	[dreg:$0x1] =	wrdreg $0xFFFFFFFF  }
0xb9: {  	[dreg:$0x0] =	wrdreg $0x60  }
0xba: {  	[dreg:$0x2] =	wrdreg s2  }
0xbb: {  	[dreg:$0x3] =	wrdreg s15  }
0xbc: {  	[dreg:$0x4] =	wrdreg s4  }
0xbd: {  	[dreg:$0x5] =	wrdreg s5  }
0xbe: {  	[dreg:$0x6] =	wrdreg s7  }
0xbf: {  	[dreg:$0x7] =	wrdreg s8  }
0xc0: {  	[dreg:$0x8] =	wrdreg s9  }
0xc1: {  	[dreg:$0x9] =	wrdreg s16  }
0xc2: {  	[dreg:$0xa] =	wrdreg s24  }
0xc3: {  	[dreg:$0xb] =	wrdreg $0x9  }
0xc4: {  	_ =	task.clear_ibuf [dreg:s14], $0xCFFFF;
	_ =	strace $0x90000046  }
0xc5: {  	s29 =	simm.s32 $0x9;
	_ =	strace $0x80000048  }
0xc6: {  	_ =	swait.ge [sflag:s29], $0x1  }
0xc7: {  	[sflag:s29] =	ssyncadd.s32 $0xFFFFFFFF  }
0xc8: {  	_ =	strace $0x90000048  }
0xc9: {  	_ =	sfence  }
0xca: {  	s30 =	sld [smem:$0x0];
	_ =	sdelay $0x2  }
0xcb: {  	s31 =	sshll.u32 s1, $0xD;
	s1 =	sshrl.u32 s1, $0x2  }
0xcc: {  	s3 =	sand.u32 $0x4000, s31;
	s1 =	sadd.s32 s1, s30  }
0xcd: {  	s0 =	sor.u32 s3, s0;
	s1 =	sshll.u32 s1, $0x11  }
0xce: {  	s0 =	sor.u32 s1, s0  }
0xcf: {  	s0 =	sadd.s32 $0x8F2B, s0  }
0xd0: {  	[sflag:s0] =	ssyncadd.remote.s32 $0x1  }
0xd1: {  	_ =	sfence.sel $0xFFFF  }
0xd2: {  	[dreg:$0x0] =	wrdreg $0xFFFFFFFF;
	(pc) =	sbr.abs _section_cstart, $3  }
0xd3: {  	[dreg:$0x1] =	wrdreg $0xFFFFFFFF  }
0xd4: {  	_ =	task.clear_ibuf [dreg:s14], $0x2FFFF;
	_ =	strace $0x9FFFFFFF  }
0xd5: {  	(tm) =	ssettm $0x7FFFFFFF  }
tec
execute0_lowered:
.L_overlay_start_1:
0x0: {  	(tag) =	ssettag $0x1  }
0x1: {  	s0 =	rddreg [dreg:$0x0]  }
0x2: {  	s2 =	rddreg [dreg:$0x2]  }
0x3: {  	s3 =	rddreg [dreg:$0x3]  }
0x4: {  	s4 =	rddreg [dreg:$0x4]  }
0x5: {  	s10 =	rddreg [dreg:$0x5]  }
0x6: {  	s6 =	rddreg [dreg:$0x6]  }
0x7: {  	s13 =	rddreg [dreg:$0x7]  }
0x8: {  	s7 =	rddreg [dreg:$0x8]  }
0x9: {  	s8 =	srdreg.scid;
	s1 =	stileid.u32  }
0xa: {  	s5 =	simm.s32 $0x0;
	s17 =	simm.s32 $0x200;
	s18 =	simm.s32 $0x400  }
0xb: {  	s19 =	simm.s32 $0x600;
	s20 =	simm.s32 $0x800;
	s21 =	simm.s32 $0xA00  }
0xc: {  	s22 =	simm.s32 $0xC00;
	s23 =	simm.s32 $0xE00;
	s24 =	simm.s32 $0x1200  }
0xd: {  	s25 =	simm.s32 $0x1330;
	s26 =	simm.s32 $0x1;
	s28 =	simm.s32 $0x1000  }
0xe: {  	s29 =	simm.s32 $0x1398;
	s8 =	sand.u32 $0x1, s8;
	s9 =	sshll.u32 s1, $0x1  }
0xf: {  	s30 =	simm.s32 $0x0;
	[smem:$0x7FF] =	sst s5;
	s9 =	sor.u32 s8, s9  }
0x10: {  	s8 =	ssub.s32 $0x2, s8;
	_ =	strace $0x80000047;
	s11 =	sshll.u32 s9, $0x1  }
0x11: {  	s12 =	sshrl.u32 s8, $0x1;
	s16 =	sshll.u32 s9, $0x6;
	s9 =	sadd.s32 $0x927C, s0  }
0x12: {  	s14 =	sadd.s32 s11, s7;
	s15 =	ssub.s32 s8, s12;
	s6 =	sadd.s32 s6, s16  }
0x13: {  	s7 =	sadd.s32 $0x30D4, s0;
	s8 =	sadd.s32 $0x61A8, s0;
	s10 =	sadd.s32 s10, s16  }
0x14: {  	s11 =	sadd.s32 s3, s16;
	s12 =	sadd.s32 s4, s16;
	s13 =	sadd.s32 s13, s16  }
0x15: {  	vm0 =	vcmask $0x704;
	vm1 =	vcmask $0x3F04;
	s16 =	simm.s32 $0x2;
	s14 =	sadd.s32 $0x600, s14;
	s15 =	smax.u32 s15, $0x1  }
.LBB2_1:
0x16: {  	[tilespmem:s5], [sflag:$0x2] =	stream.linear.gather [hbm4b:s6+s5], $0x200, $0x38;
	[tilespmem:$0x13A8] =	vst v63  }
0x17: {  	_ =	swait.ge [sflag:s16], $0x200  }
0x18: {  	[sflag:s16] =	ssyncset.done $0x0  }
0x19: {  	[sflag:s16] =	ssyncadd.s32 $0xFFFFFE00  }
0x1a: {  	[tilespmem:s18], [sflag:$0x1] =	stream.indirect.gather [hbm4b:s0+s17], $0x1, s5, s17, $0xb8;
	[tilespmem:$0x13A8] =	vst v63  }
0x1b: {  	_ = 	snop  }
0x1c: {  	[tilespmem:s19], [sflag:$0x1] =	stream.indirect.gather [hbm4b:s7+s17], $0x1, s5, s17, $0xb8;
	[tilespmem:$0x13A8] =	vst v63  }
0x1d: {  	_ = 	snop  }
0x1e: {  	[tilespmem:s20], [sflag:$0x1] =	stream.indirect.gather [hbm4b:s8+s17], $0x1, s5, s17, $0xb8;
	[tilespmem:$0x13A8] =	vst v63  }
0x1f: {  	_ = 	snop  }
0x20: {  	[tilespmem:s21], [sflag:$0x1] =	stream.indirect.gather [hbm4b:s9+s17], $0x1, s5, s17, $0xb8;
	[tilespmem:$0x13A8] =	vst v63  }
0x21: {  	_ = 	snop  }
0x22: {  	[tilespmem:s17], [sflag:$0x2] =	stream.linear.gather [hbm4b:s10+s5], $0x200, $0x38;
	[tilespmem:$0x13A8] =	vst v63  }
0x23: {  	_ =	swait.ge [sflag:s16], $0x200  }
0x24: {  	[sflag:s16] =	ssyncset.done $0x0  }
0x25: {  	[sflag:s16] =	ssyncadd.s32 $0xFFFFFE00  }
0x26: {  	[tilespmem:s22], [sflag:$0x2] =	stream.linear.gather [hbm4b:s11+s5], $0x200, $0x38;
	[tilespmem:$0x13A8] =	vst v63  }
0x27: {  	_ =	swait.ge [sflag:s16], $0x200  }
0x28: {  	[sflag:s16] =	ssyncset.done $0x0  }
0x29: {  	[sflag:s16] =	ssyncadd.s32 $0xFFFFFE00  }
0x2a: {  	[tilespmem:s23], [sflag:$0x2] =	stream.linear.gather [hbm4b:s12+s5], $0x200, $0x38;
	[tilespmem:$0x13A8] =	vst v63  }
0x2b: {  	_ =	swait.ge [sflag:s16], $0x200  }
0x2c: {  	[sflag:s16] =	ssyncset.done $0x0  }
0x2d: {  	[sflag:s16] =	ssyncadd.s32 $0xFFFFFE00  }
0x2e: {  	s1 =	rddreg [dreg:$0x1]  }
0x2f: {  	[tilespmem:s24], [sflag:$0x2] =	stream.linear.gather [hbm4b:s1+s5], $0x130, $0x38;
	[tilespmem:$0x13A8] =	vst v63  }
0x30: {  	_ =	swait.ge [sflag:s16], $0x130  }
0x31: {  	[sflag:s16] =	ssyncset.done $0x0  }
0x32: {  	[sflag:s16] =	ssyncadd.s32 $0xFFFFFED0  }
0x33: {  	[tilespmem:s25], [sflag:$0x2] =	stream.linear.gather [hbm4b:s2+s5], $0x68, $0x38;
	[tilespmem:$0x13A8] =	vst v63  }
0x34: {  	_ =	swait.ge [sflag:s16], $0x68  }
0x35: {  	[sflag:s16] =	ssyncset.done $0x0  }
0x36: {  	[sflag:s16] =	ssyncadd.s32 $0xFFFFFF98  }
0x37: {  	_ =	swait.ge [sflag:s26], $0x200  }
0x38: {  	[sflag:s26] =	ssyncset.done $0x0  }
0x39: {  	[sflag:s26] =	ssyncadd.s32 $0xFFFFFE00  }
0x3a: {  	_ =	swait.ge [sflag:s26], $0x200  }
0x3b: {  	[sflag:s26] =	ssyncset.done $0x0  }
0x3c: {  	[sflag:s26] =	ssyncadd.s32 $0xFFFFFE00  }
0x3d: {  	_ =	swait.ge [sflag:s26], $0x200  }
0x3e: {  	[sflag:s26] =	ssyncset.done $0x0  }
0x3f: {  	[sflag:s26] =	ssyncadd.s32 $0xFFFFFE00  }
0x40: {  	_ =	swait.ge [sflag:s26], $0x200  }
0x41: {  	[sflag:s26] =	ssyncset.done $0x0  }
0x42: {  	s31 =	simm.s32 $0x0;
	[sflag:s26] =	ssyncadd.s32 $0xFFFFFE00  }
0x43: {  	v4 =	vld [tilespmem:s31+$0x200];
	_ =	sdelay $0x4  }
0x44: {  	v0 =	vmul.u32 $0x3, v4;
	_ =	sdelay $0x1  }
0x45: {  	v1 =	vadd.s32 $0x1, v0;
	_ =	sdelay $0x1  }
0x46: {  	v3 =	vld [tilespmem:s31+$0x400];
	v2 =	vadd.s32 $0x2, v0  }
0x47: {  	v5 =	vld [tilespmem:s31+$0x600]  }
0x48: {  	v0 =	vld.idx.msk [tilespmem:v0+s24+$0x0], $0xffff  }
0x49: {  	v1 =	vld.idx.msk [tilespmem:v1+s24+$0x0], $0xffff  }
0x4a: {  	v6 =	vld [tilespmem:s31+$0x800]  }
0x4b: {  	v2 =	vld.idx.msk [tilespmem:v2+s24+$0x0], $0xffff;
	_ =	sdelay $0x2  }
0x4c: {  	v0 =	vsub.f32 v3, v0;
	v1 =	vsub.f32 v5, v1;
	_ =	sdelay $0x1  }
0x4d: {  	v2 =	vsub.f32 v6, v2;
	v0 =	vmul.f32 v0, v0;
	v1 =	vmul.f32 v1, v1;
	_ =	sdelay $0x1  }
0x4e: {  	v0 =	vadd.f32 v1, v0;
	v1 =	vmul.f32 v2, v2;
	_ =	sdelay $0x1  }
0x4f: {  	v5 =	vadd.f32 v1, v0;
	_ =	sdelay $0x1  }
0x50: {  	v0 =	vshra.s32 v5, $0x1;
	v6 =	vmul.f32 $5.000000000e-01, v5  }
0x51: {  	v0 =	vsub.s32 $0x5F3759DF, v0  }
0x52: {  	v1 =	vmul.f32 v0, v6;
	_ =	sdelay $0x1  }
0x53: {  	v1 =	vmul.f32 v0, v1;
	_ =	sdelay $0x1  }
0x54: {  	v1 =	vsub.f32 $1.500000000e+00, v1;
	_ =	sdelay $0x1  }
0x55: {  	v0 =	vmul.f32 v0, v1;
	_ =	sdelay $0x1  }
0x56: {  	v1 =	vmul.f32 v0, v6;
	_ =	sdelay $0x1  }
0x57: {  	v1 =	vmul.f32 v1, v0;
	_ =	sdelay $0x1  }
0x58: {  	v1 =	vsub.f32 $1.500000000e+00, v1;
	_ =	sdelay $0x1  }
0x59: {  	v7 =	vmul.f32 v1, v0;
	_ =	sdelay $0x1  }
0x5a: {  	v1 =	vmul.f32 v7, v6  }
0x5b: {  	v3 =	vld [tilespmem:s31+$0xC00]  }
0x5c: {  	s3 =	simm.s32 $0x40;
	s4 =	simm.s32 $0x80;
	v2 =	vld [tilespmem:s31+$0xE00];
	v0 =	vimm.f32 $0.0e+00;
	v8 =	vmul.f32 v1, v7;
	v1 =	vimm.f32 $0.0e+00  }
.LBB2_2:
0x5d: {  	p0 =	sne.s32 s4, $0x7C0  }
0x5e: {  	v8 =	vsub.f32 $1.500000000e+00, v8;
	_ =	sdelay $0x1  }
0x5f: {  	v7 =	vmul.f32 v8, v7;
	_ =	sdelay $0x1  }
0x60: {  	v6 =	vmul.f32 v7, v6;
	_ =	sdelay $0x1  }
0x61: {  	s1 =	sshra.s32 s3, $0x2;
	s3 =	smov.u32 s4;
	v6 =	vmul.f32 v6, v7  }
0x62: {  	v8 =	vld [tilespmem:s1+$0x200]  }
0x63: {  	v9 =	vld [tilespmem:s1+$0xC00];
	v6 =	vsub.f32 $1.500000000e+00, v6  }
0x64: {  	v10 =	vld [tilespmem:s31+$0xA00]  }
0x65: {  	v11 =	vld.idx.msk [tilespmem:v4+s25+$0x0], $0xffff;
	v12 =	vmul.f32 v6, v7  }
0x66: {  	v6 =	vld [tilespmem:s1+$0xE00]  }
0x67: {  	v7 =	vmul.u32 $0x3, v8;
	v5 =	vmul.f32 v12, v5;
	v4 =	vmov v8;
	_ =	sdelay $0x1  }
0x68: {  	v8 =	vadd.s32 $0x1, v7;
	v5 =	vadd.f32 v5, v10;
	_ =	sdelay $0x1  }
0x69: {  	v10 =	vand.u32 $0x7FFFFFFF, v11;
	v5 =	vadd.f32 v5, v11  }
0x6a: {  	v11 =	vadd.s32 $0x2, v7;
	v0 =	vadd.f32 v10, v0  }
0x6b: {  	v10 =	vld [tilespmem:s1+$0x400];
	[tilespmem:s31+$0x1000] =	vst v5;
	v5 =	vsub.f32 v5, v3;
	v3 =	vmov v9;
	s31 =	smov.u32 s1  }
0x6c: {  	v8 =	vld.idx.msk [tilespmem:v8+s24+$0x0], $0xffff  }
0x6d: {  	v7 =	vld.idx.msk [tilespmem:v7+s24+$0x0], $0xffff;
	v9 =	vand.u32 $0x7FFFFFFF, v5;
	v12 =	vmul.f32 $5.000000000e-01, v5  }
0x6e: {  	v13 =	vld [tilespmem:s31+$0x600];
	vm2 =	vlt.f32 v9, $1.000000000e+00;
	v9 =	vadd.f32 $-5.000000000e-01, v9  }
0x6f: {  	v11 =	vld.idx.msk [tilespmem:v11+s24+$0x0], $0xffff;
	v5 =	vmul.f32 v12, v5  }
0x70: {  	v12 =	vld [tilespmem:s31+$0x800]  }
0x71: {  	v5 =	vsel vm2, v5, v9  }
0x72: {  	v5 =	vmul.f32 v5, v2;
	v2 =	vmov v6  }
0x73: {  	v6 =	vsub.f32 v10, v7;
	v7 =	vsub.f32 v13, v8  }
0x74: {  	v1 =	vadd.f32 v5, v1  }
0x75: {  	v6 =	vmul.f32 v6, v6;
	v5 =	vsub.f32 v12, v11;
	v7 =	vmul.f32 v7, v7;
	_ =	sdelay $0x1  }
0x76: {  	v6 =	vadd.f32 v7, v6;
	v5 =	vmul.f32 v5, v5;
	_ =	sdelay $0x1  }
0x77: {  	v5 =	vadd.f32 v5, v6;
	_ =	sdelay $0x1  }
0x78: {  	v7 =	vshra.s32 v5, $0x1;
	v6 =	vmul.f32 $5.000000000e-01, v5  }
0x79: {  	v7 =	vsub.s32 $0x5F3759DF, v7  }
0x7a: {  	v8 =	vmul.f32 v7, v6;
	_ =	sdelay $0x1  }
0x7b: {  	v8 =	vmul.f32 v7, v8;
	_ =	sdelay $0x1  }
0x7c: {  	v8 =	vsub.f32 $1.500000000e+00, v8;
	_ =	sdelay $0x1  }
0x7d: {  	v7 =	vmul.f32 v7, v8;
	_ =	sdelay $0x1  }
0x7e: {  	v8 =	vmul.f32 v7, v6;
	_ =	sdelay $0x1  }
0x7f: {  	v8 =	vmul.f32 v8, v7;
	_ =	sdelay $0x1  }
0x80: {  	v8 =	vsub.f32 $1.500000000e+00, v8;
	_ =	sdelay $0x1  }
.Ltmp0:
0x81: {  	v7 =	vmul.f32 v8, v7;
	(pc) =	sbr.rel @p0 .LBB2_2-.Ltmp0, $3  }
0x82: {  	_ = 	snop  }
0x83: {  	v8 =	vmul.f32 v7, v6;
	_ =	sdelay $0x1  }
0x84: {  	s4 =	sadd.s32 $0x40, s4;
	v8 =	vmul.f32 v8, v7  }
0x85: {  	_ = 	snop  }
0x86: {  	v8 =	vsub.f32 $1.500000000e+00, v8;
	_ =	sdelay $0x1  }
0x87: {  	v7 =	vmul.f32 v8, v7;
	_ =	sdelay $0x1  }
0x88: {  	v6 =	vmul.f32 v7, v6;
	_ =	sdelay $0x1  }
0x89: {  	s3 =	sshra.s32 s3, $0x2;
	v6 =	vmul.f32 v6, v7  }
0x8a: {  	v43 =	vld [tilespmem:s3+$0x200]  }
0x8b: {  	v6 =	vsub.f32 $1.500000000e+00, v6  }
0x8c: {  	v9 =	vld [tilespmem:s31+$0xA00]  }
0x8d: {  	v6 =	vmul.f32 v6, v7  }
0x8e: {  	v4 =	vld.idx.msk [tilespmem:v4+s25+$0x0], $0xffff  }
0x8f: {  	v44 =	vmul.u32 $0x3, v43;
	v5 =	vmul.f32 v6, v5;
	_ =	sdelay $0x1  }
0x90: {  	v45 =	vadd.s32 $0x1, v44;
	v5 =	vadd.f32 v5, v9;
	_ =	sdelay $0x1  }
0x91: {  	v46 =	vld [tilespmem:s3+$0xC00];
	v5 =	vadd.f32 v5, v4  }
0x92: {  	v10 =	vld [tilespmem:s3+$0xE00];
	v11 =	vadd.s32 $0x2, v44  }
0x93: {  	v12 =	vld [tilespmem:s3+$0x400];
	[tilespmem:s31+$0x1000] =	vst v5  }
0x94: {  	v6 =	vld.idx.msk [tilespmem:v45+s24+$0x0], $0xffff  }
0x95: {  	v7 =	vld.idx.msk [tilespmem:v44+s24+$0x0], $0xffff  }
0x96: {  	v13 =	vld [tilespmem:s3+$0x600]  }
0x97: {  	v11 =	vld.idx.msk [tilespmem:v11+s24+$0x0], $0xffff  }
0x98: {  	v14 =	vld [tilespmem:s3+$0x800];
	_ =	sdelay $0x2  }
0x99: {  	v7 =	vsub.f32 v12, v7;
	v6 =	vsub.f32 v13, v6;
	_ =	sdelay $0x1  }
0x9a: {  	v11 =	vsub.f32 v14, v11;
	v7 =	vmul.f32 v7, v7;
	v6 =	vmul.f32 v6, v6;
	_ =	sdelay $0x1  }
0x9b: {  	v47 =	vmul.f32 v11, v11;
	v6 =	vadd.f32 v6, v7;
	_ =	sdelay $0x1  }
0x9c: {  	v6 =	vadd.f32 v47, v6;
	_ =	sdelay $0x1  }
0x9d: {  	v7 =	vshra.s32 v6, $0x1;
	v48 =	vmul.f32 $5.000000000e-01, v6  }
0x9e: {  	v7 =	vsub.s32 $0x5F3759DF, v7  }
0x9f: {  	v49 =	vmul.f32 v7, v48;
	_ =	sdelay $0x1  }
0xa0: {  	v12 =	vmul.f32 v7, v49;
	_ =	sdelay $0x1  }
0xa1: {  	v12 =	vsub.f32 $1.500000000e+00, v12;
	_ =	sdelay $0x1  }
0xa2: {  	v7 =	vmul.f32 v7, v12;
	_ =	sdelay $0x1  }
0xa3: {  	v12 =	vmul.f32 v7, v48;
	_ =	sdelay $0x1  }
0xa4: {  	v12 =	vmul.f32 v12, v7;
	_ =	sdelay $0x1  }
0xa5: {  	v12 =	vsub.f32 $1.500000000e+00, v12;
	_ =	sdelay $0x1  }
0xa6: {  	v7 =	vmul.f32 v12, v7;
	_ =	sdelay $0x1  }
0xa7: {  	v12 =	vmul.f32 v7, v48;
	_ =	sdelay $0x1  }
0xa8: {  	v12 =	vmul.f32 v12, v7;
	_ =	sdelay $0x1  }
0xa9: {  	v12 =	vsub.f32 $1.500000000e+00, v12;
	_ =	sdelay $0x1  }
0xaa: {  	v7 =	vmul.f32 v12, v7;
	_ =	sdelay $0x1  }
0xab: {  	v11 =	vmul.f32 v7, v48;
	_ =	sdelay $0x1  }
0xac: {  	v11 =	vmul.f32 v11, v7;
	_ =	sdelay $0x1  }
0xad: {  	v11 =	vsub.f32 $1.500000000e+00, v11  }
0xae: {  	v50 =	vld [tilespmem:s3+$0xA00]  }
0xaf: {  	v7 =	vmul.f32 v11, v7  }
0xb0: {  	v8 =	vld.idx.msk [tilespmem:v43+s25+$0x0], $0xffff  }
0xb1: {  	v6 =	vmul.f32 v7, v6;
	_ =	sdelay $0x1  }
0xb2: {  	v6 =	vadd.f32 v6, v50;
	_ =	sdelay $0x1  }
0xb3: {  	v3 =	vsub.f32 v5, v3;
	v51 =	vadd.f32 v6, v8;
	_ =	sdelay $0x1  }
0xb4: {  	v52 =	vmul.f32 $5.000000000e-01, v3;
	v53 =	vsub.f32 v51, v46  }
0xb5: {  	v54 =	vand.u32 $0x7FFFFFFF, v3  }
0xb6: {  	v55 =	vadd.f32 $-5.000000000e-01, v54;
	v3 =	vmul.f32 v52, v3;
	v56 =	vmul.f32 $5.000000000e-01, v53  }
0xb7: {  	vm2 =	vlt.f32 v54, $1.000000000e+00;
	v57 =	vand.u32 $0x7FFFFFFF, v53  }
0xb8: {  	v3 =	vsel vm2, v3, v55;
	v58 =	vadd.f32 $-5.000000000e-01, v57;
	v6 =	vmul.f32 v56, v53  }
0xb9: {  	v2 =	vmul.f32 v3, v2;
	vm2 =	vlt.f32 v57, $1.000000000e+00  }
0xba: {  	v59 =	vsel vm2, v6, v58  }
0xbb: {  	v4 =	vand.u32 $0x7FFFFFFF, v4;
	v1 =	vadd.f32 v2, v1;
	v60 =	vmul.f32 v59, v10  }
0xbc: {  	v0 =	vadd.f32 v4, v0  }
0xbd: {  	v61 =	vand.u32 $0x7FFFFFFF, v8;
	v1 =	vadd.f32 v60, v1  }
0xbe: {  	v0 =	vadd.f32 v61, v0  }
0xbf: {  	(xrf2) =	vadd.scan.msk.f32 $0xffff, v1  }
0xc0: {  	(xrf2) =	vadd.scan.msk.f32 $0xffff, v0;
	_ =	sdelay $0x8  }
0xc1: {  	v62, _, _ =	vpop (xrf2)  }
0xc2: {  	v63, _, _ =	vpop (xrf2)  }
0xc3: {  	v1 =	vbroadcast v63, $0xF  }
0xc4: {  	v0 =	vbroadcast v62, $0xF  }
0xc5: {  	v1 =	vnsel vm0, $0x0, v1  }
0xc6: {  	[tilespmem:s3+$0x1000] =	vst v51;
	v0 =	vsel vm1, v1, v0  }
0xc7: {  	[tilespmem:$0x1398] =	vst v0  }
0xc8: {  	[hbm4b:s13+s5] =	stream.linear.scatter [tilespmem:s28], [sflag:$0x2], $0x200, $0x38;
	[tilespmem:$0x13A8] =	vst v63  }
0xc9: {  	s30 =	sadd.s32 $0x1, s30;
	_ =	swait.ge [sflag:s16], $0x200  }
0xca: {  	p0 =	sne.s32 s30, s15;
	[sflag:s16] =	ssyncset.done $0x0  }
.Ltmp1:
0xcb: {  	[sflag:s16] =	ssyncadd.s32 $0xFFFFFE00;
	(pc) =	sbr.rel @p0 .LBB2_1-.Ltmp1, $4  }
0xcc: {  	[hbm4b:s14+s5] =	stream.linear.scatter [tilespmem:s29], [sflag:$0x2], $0x10, $0x38;
	[tilespmem:$0x13A8] =	vst v63  }
0xcd: {  	_ =	swait.ge [sflag:s16], $0x10  }
0xce: {  	[sflag:s16] =	ssyncset.done $0x0  }
0xcf: {  	[sflag:s16] =	ssyncadd.s32 $0xFFFFFFF0  }
0xd0: {  	_ =	sfence.sel $0x180000  }
0xd1: {  	[bflag:$0x0] =	sbarrier.arrive $0xFFFF  }
0xd2: {  	_ =	strace $0x90000047  }
0xd3: {  	s0 =	stileid.u32;
	[bflag:$0x2] =	sbarrier.arrive $0xFFFF  }
0xd4: {  	p0 =	sne.s32 s0, $0x0;
	s0 =	rddreg [dreg:$0x9]  }
0xd5: {  	s0 =	sadd.s32 @!p0 $0x100000, s0  }
0xd6: {  	[sflag:s0] =	ssyncadd.tile.s32 @!p0 $0x1;
	_ =	shalt  }
.Lfunc_end2:
_tile_overlayer_lowered:
.L_overlay_start_2:
0xd7: {  	(tag) =	ssettag $0x2  }
0xd8: {  	s0 =	rddreg [dreg:$0x0];
	s2 =	stileid.u32  }
0xd9: {  	s1 =	rddreg [dreg:$0x1];
	p0 =	sne.s32 s2, $0x0  }
0xda: {  	s3 =	rddreg [dreg:$0x2];
	[bflag:$0x3] =	sbarrier.arrive $0xFFFF;
	s2 =	simm.s32 @!p0 $0x1C02  }
0xdb: {  	[timem:s3], [sflag:s2] =	dma.local @!p0 [hbm:s0], s1  }
0xdc: {  	s0 =	simm.s32 @!p0 $0x2  }
0xdd: {  	_ =	swait.ge @!p0 [sflag:s0], s1  }
0xde: {  	s1 =	ssub.s32 @!p0 $0x0, s1;
	[sflag:s0] =	ssyncset.done @!p0 $0x0  }
0xdf: {  	[sflag:s0] =	ssyncadd.s32 @!p0 s1  }
0xe0: {  	[bflag:$0x3] =	sbarrier.arrive $0xFFFF  }
0xe1: {  	_ =	shalt  }

</sc_bundles>
